<compile_context>
chip_gen: v7x
topology: tpu7x:2x2x1
jax: 0.10.2.dev20260603
libtpu: 0.0.44.dev20260713+nightly
codegen_flags: <defaults>
</compile_context>

<pallas_src>
import functools

import jax
import jax.numpy as jnp
from jax.experimental import pallas as pl

ALPHA = 0.3
BETA = 0.7
GAMMA = 1.33
SMOOTH = 1e-06
LOVASZ_WEIGHT = 0.2

_R = 2048
_C = 128


def _elem_kernel(x_ref, t_ref, err_ref, tp_ref, fn_ref, fp_ref):
    x = x_ref[0]
    t = t_ref[0].astype(jnp.float32)
    p = jax.nn.sigmoid(x)
    tp_ref[0, 0, :] = jnp.sum(p * t, axis=0)
    fn_ref[0, 0, :] = jnp.sum((1.0 - p) * t, axis=0)
    fp_ref[0, 0, :] = jnp.sum(p * (1.0 - t), axis=0)
    err_ref[0] = 1.0 - x * (2.0 * t - 1.0)


def _lovasz_flat(errors, labels):
    perm = jnp.argsort(-errors)
    errors_sorted = errors[perm]
    labels_sorted = labels[perm]
    p = labels_sorted.sum()
    n = labels_sorted.shape[0] - p
    intersection = p - jnp.cumsum(labels_sorted)
    union = p + jnp.cumsum(1.0 - labels_sorted)
    jaccard = 1.0 - intersection / union
    jaccard_diff = jnp.concatenate([jaccard[:1], jaccard[1:] - jaccard[:-1]])
    grad = jnp.where(n > 0, jaccard_diff, jaccard)
    return jnp.dot(jax.nn.relu(errors_sorted), grad)


def kernel(logits, targets):
    B = logits.shape[0]
    x = logits.reshape(B, _R, _C)
    t = targets.reshape(B, _R, _C)
    errs, tp, fn, fp = pl.pallas_call(
        _elem_kernel,
        grid=(B,),
        in_specs=[
            pl.BlockSpec((1, _R, _C), lambda i: (i, 0, 0)),
            pl.BlockSpec((1, _R, _C), lambda i: (i, 0, 0)),
        ],
        out_specs=[
            pl.BlockSpec((1, _R, _C), lambda i: (i, 0, 0)),
            pl.BlockSpec((1, 1, _C), lambda i: (i, 0, 0)),
            pl.BlockSpec((1, 1, _C), lambda i: (i, 0, 0)),
            pl.BlockSpec((1, 1, _C), lambda i: (i, 0, 0)),
        ],
        out_shape=[
            jax.ShapeDtypeStruct((B, _R, _C), jnp.float32),
            jax.ShapeDtypeStruct((B, 1, _C), jnp.float32),
            jax.ShapeDtypeStruct((B, 1, _C), jnp.float32),
            jax.ShapeDtypeStruct((B, 1, _C), jnp.float32),
        ],
    )(x, t)
    tp = tp.reshape(B, _C).sum(axis=1)
    fn = fn.reshape(B, _C).sum(axis=1)
    fp = fp.reshape(B, _C).sum(axis=1)
    tversky = (tp + SMOOTH) / (tp + ALPHA * fn + BETA * fp + SMOOTH)
    ft = jnp.mean((1.0 - tversky) ** GAMMA)
    lab = targets.reshape(B, -1).astype(jnp.float32)
    lov = jnp.mean(jax.vmap(_lovasz_flat)(errs.reshape(B, -1), lab))
    return ft + LOVASZ_WEIGHT * lov

# --- scband reference (transcript-rebuilt; emitter-appended) ---
"""Pipeline reference for scband-combined-segmentation-loss-44238163148850 (READ-ONLY COPY).

The authoritative reference and input builder live on the scoring server;
editing this copy changes nothing except your own understanding.
"""

import jax, jax.numpy as jnp
import numpy as np

ALPHA = 0.3
BETA = 0.7
GAMMA = 1.33
SMOOTH = 1e-06
LOVASZ_WEIGHT = 0.2


def lovasz_hinge_flat(logits, labels):
    # logits: [P], labels: [P] float {0,1}
    signs = 2.0 * labels - 1.0
    errors = 1.0 - logits * signs
    perm = jnp.argsort(-errors)  # descending sort of errors
    errors_sorted = errors[perm]
    labels_sorted = labels[perm]
    p = labels_sorted.sum()
    n = labels_sorted.shape[0] - p
    intersection = p - jnp.cumsum(labels_sorted)
    union = p + jnp.cumsum(1.0 - labels_sorted)
    jaccard = 1.0 - intersection / union
    jaccard_diff = jnp.concatenate([jaccard[:1], jaccard[1:] - jaccard[:-1]])
    grad = jnp.where(n > 0, jaccard_diff, jaccard)
    return jnp.dot(jax.nn.relu(errors_sorted), grad)


def setup_inputs(seed: int = 0) -> dict:
    key = jax.random.key(seed)
    k1, k2 = jax.random.split(key)
    logits = jax.random.normal(k1, (8, 1, 512, 512), dtype=jnp.float32)
    targets = jax.random.randint(k2, (8, 1, 512, 512), 0, 2, dtype=jnp.int32)
    return {"logits": logits, "targets": targets}


def reference(logits, targets):
    t = targets.astype(jnp.float32)
    B = logits.shape[0]
    # Focal Tversky
    probs = jax.nn.sigmoid(logits)
    p = probs.reshape(B, -1)
    tt = t.reshape(B, -1)
    tp = (p * tt).sum(axis=1)
    fn = ((1.0 - p) * tt).sum(axis=1)
    fp = (p * (1.0 - tt)).sum(axis=1)
    tversky = (tp + SMOOTH) / (tp + ALPHA * fn + BETA * fp + SMOOTH)
    ft = jnp.mean((1.0 - tversky) ** GAMMA)
    # Lovasz hinge, per image
    log_flat = logits.reshape(B, -1)
    lab_flat = t.reshape(B, -1)
    lov = jnp.mean(jax.vmap(lovasz_hinge_flat)(log_flat, lab_flat))
    return ft + LOVASZ_WEIGHT * lov

if __name__ == "__main__":
    import jax
    _d = setup_inputs()
    print(jax.jit(kernel)(*tuple(_d.values())))

</pallas_src>

<mosaic_0001>
module attributes {stable_mosaic.version = 14 : i64} {
  func.func @_elem_kernel(%arg0: i32, %arg1: memref<1x2048x128xf32, #tpu.memory_space<vmem>>, %arg2: memref<1x2048x128xi32, #tpu.memory_space<vmem>>, %arg3: memref<1x2048x128xf32, #tpu.memory_space<vmem>>, %arg4: memref<1x1x128xf32, #tpu.memory_space<vmem>>, %arg5: memref<1x1x128xf32, #tpu.memory_space<vmem>>, %arg6: memref<1x1x128xf32, #tpu.memory_space<vmem>>) attributes {dimension_semantics = [#tpu.dimension_semantics<arbitrary>], iteration_bounds = array<i64: 8>, scalar_prefetch = 0 : i64, scratch_operands = 0 : i64, tpu.core_type = #tpu.core_type<tc>, window_params = [{transform_indices = @transform_0, window_bounds = array<i64: 1, 2048, 128>}, {transform_indices = @transform_1, window_bounds = array<i64: 1, 2048, 128>}, {transform_indices = @transform_2, window_bounds = array<i64: 1, 2048, 128>}, {transform_indices = @transform_3, window_bounds = array<i64: 1, 1, 128>}, {transform_indices = @transform_4, window_bounds = array<i64: 1, 1, 128>}, {transform_indices = @transform_5, window_bounds = array<i64: 1, 1, 128>}]} {
    %get3A = arith.constant 0 : index
    %get3A_0 = arith.constant 0 : index
    %get3A_1 = arith.constant 0 : index
    %get3A_2 = vector.load %arg1[%get3A, %get3A_0, %get3A_1] : memref<1x2048x128xf32, #tpu.memory_space<vmem>>, vector<1x2048x128xf32>
    %get3A_3 = vector.shape_cast %get3A_2 : vector<1x2048x128xf32> to vector<2048x128xf32>
    %get3A_4 = arith.constant 0 : index
    %get3A_5 = arith.constant 0 : index
    %get3A_6 = arith.constant 0 : index
    %get3A_7 = vector.load %arg2[%get3A_4, %get3A_5, %get3A_6] : memref<1x2048x128xi32, #tpu.memory_space<vmem>>, vector<1x2048x128xi32>
    %get3A_8 = vector.shape_cast %get3A_7 : vector<1x2048x128xi32> to vector<2048x128xi32>
    %convert_element_type3A = arith.sitofp %get3A_8 : vector<2048x128xi32> to vector<2048x128xf32>
    %logistic3A = arith.negf %get3A_3 : vector<2048x128xf32>
    %logistic3A_9 = math.exp %logistic3A : vector<2048x128xf32>
    %logistic3A_10 = arith.constant 1.000000e+00 : f32
    %logistic3A_11 = vector.broadcast %logistic3A_10 : f32 to vector<2048x128xf32>
    %logistic3A_12 = arith.addf %logistic3A_11, %logistic3A_9 : vector<2048x128xf32>
    %logistic3A_13 = arith.divf %logistic3A_11, %logistic3A_12 : vector<2048x128xf32>
    %mul3A = arith.mulf %logistic3A_13, %convert_element_type3A : vector<2048x128xf32>
    %reduce_sum3A = arith.constant dense<0.000000e+00> : vector<128xf32>
    %reduce_sum3A_14 = vector.multi_reduction <add>, %mul3A, %reduce_sum3A [0] : vector<2048x128xf32> to vector<128xf32>
    %swap3A = arith.constant 0 : index
    %swap3A_15 = arith.constant 0 : index
    %swap3A_16 = arith.constant 0 : index
    %swap3A_17 = vector.load %arg4[%swap3A, %swap3A_15, %swap3A_16] : memref<1x1x128xf32, #tpu.memory_space<vmem>>, vector<1x1x128xf32>
    %swap3A_18 = vector.shape_cast %swap3A_17 : vector<1x1x128xf32> to vector<128xf32>
    %swap3A_19 = vector.shape_cast %reduce_sum3A_14 : vector<128xf32> to vector<1x1x128xf32>
    tpu.vector_store %arg4[%swap3A, %swap3A_15, %swap3A_16], %swap3A_19 {strides = array<i32>} : memref<1x1x128xf32, #tpu.memory_space<vmem>>, vector<1x1x128xf32>,
    %sub3A = arith.constant 1.000000e+00 : f32
    %sub3A_20 = vector.broadcast %sub3A : f32 to vector<2048x128xf32>
    %sub3A_21 = arith.subf %sub3A_20, %logistic3A_13 : vector<2048x128xf32>
    %mul3A_22 = arith.mulf %sub3A_21, %convert_element_type3A : vector<2048x128xf32>
    %reduce_sum3A_23 = arith.constant dense<0.000000e+00> : vector<128xf32>
    %reduce_sum3A_24 = vector.multi_reduction <add>, %mul3A_22, %reduce_sum3A_23 [0] : vector<2048x128xf32> to vector<128xf32>
    %swap3A_25 = arith.constant 0 : index
    %swap3A_26 = arith.constant 0 : index
    %swap3A_27 = arith.constant 0 : index
    %swap3A_28 = vector.load %arg5[%swap3A_25, %swap3A_26, %swap3A_27] : memref<1x1x128xf32, #tpu.memory_space<vmem>>, vector<1x1x128xf32>
    %swap3A_29 = vector.shape_cast %swap3A_28 : vector<1x1x128xf32> to vector<128xf32>
    %swap3A_30 = vector.shape_cast %reduce_sum3A_24 : vector<128xf32> to vector<1x1x128xf32>
    tpu.vector_store %arg5[%swap3A_25, %swap3A_26, %swap3A_27], %swap3A_30 {strides = array<i32>} : memref<1x1x128xf32, #tpu.memory_space<vmem>>, vector<1x1x128xf32>,
    %sub3A_31 = arith.constant 1.000000e+00 : f32
    %sub3A_32 = vector.broadcast %sub3A_31 : f32 to vector<2048x128xf32>
    %sub3A_33 = arith.subf %sub3A_32, %convert_element_type3A : vector<2048x128xf32>
    %mul3A_34 = arith.mulf %logistic3A_13, %sub3A_33 : vector<2048x128xf32>
    %reduce_sum3A_35 = arith.constant dense<0.000000e+00> : vector<128xf32>
    %reduce_sum3A_36 = vector.multi_reduction <add>, %mul3A_34, %reduce_sum3A_35 [0] : vector<2048x128xf32> to vector<128xf32>
    %swap3A_37 = arith.constant 0 : index
    %swap3A_38 = arith.constant 0 : index
    %swap3A_39 = arith.constant 0 : index
    %swap3A_40 = vector.load %arg6[%swap3A_37, %swap3A_38, %swap3A_39] : memref<1x1x128xf32, #tpu.memory_space<vmem>>, vector<1x1x128xf32>
    %swap3A_41 = vector.shape_cast %swap3A_40 : vector<1x1x128xf32> to vector<128xf32>
    %swap3A_42 = vector.shape_cast %reduce_sum3A_36 : vector<128xf32> to vector<1x1x128xf32>
    tpu.vector_store %arg6[%swap3A_37, %swap3A_38, %swap3A_39], %swap3A_42 {strides = array<i32>} : memref<1x1x128xf32, #tpu.memory_space<vmem>>, vector<1x1x128xf32>,
    %mul3A_43 = arith.constant 2.000000e+00 : f32
    %mul3A_44 = vector.broadcast %mul3A_43 : f32 to vector<2048x128xf32>
    %mul3A_45 = arith.mulf %mul3A_44, %convert_element_type3A : vector<2048x128xf32>
    %sub3A_46 = arith.constant 1.000000e+00 : f32
    %sub3A_47 = vector.broadcast %sub3A_46 : f32 to vector<2048x128xf32>
    %sub3A_48 = arith.subf %mul3A_45, %sub3A_47 : vector<2048x128xf32>
    %mul3A_49 = arith.mulf %get3A_3, %sub3A_48 : vector<2048x128xf32>
    %sub3A_50 = arith.constant 1.000000e+00 : f32
    %sub3A_51 = vector.broadcast %sub3A_50 : f32 to vector<2048x128xf32>
    %sub3A_52 = arith.subf %sub3A_51, %mul3A_49 : vector<2048x128xf32>
    %swap3A_53 = arith.constant 0 : index
    %swap3A_54 = arith.constant 0 : index
    %swap3A_55 = arith.constant 0 : index
    %swap3A_56 = vector.load %arg3[%swap3A_53, %swap3A_54, %swap3A_55] : memref<1x2048x128xf32, #tpu.memory_space<vmem>>, vector<1x2048x128xf32>
    %swap3A_57 = vector.shape_cast %swap3A_56 : vector<1x2048x128xf32> to vector<2048x128xf32>
    %swap3A_58 = vector.shape_cast %sub3A_52 : vector<2048x128xf32> to vector<1x2048x128xf32>
    tpu.vector_store %arg3[%swap3A_53, %swap3A_54, %swap3A_55], %swap3A_58 {strides = array<i32>} : memref<1x2048x128xf32, #tpu.memory_space<vmem>>, vector<1x2048x128xf32>,
    return
  }
  func.func @transform_0(%arg0: i32) -> (i32, i32, i32) {
    %c0_i32 = arith.constant 0 : i32
    %c0_i32_0 = arith.constant 0 : i32
    %c0_i32_1 = arith.constant 0 : i32
    return %arg0, %c0_i32, %c0_i32_0 : i32, i32, i32
  }
  func.func @transform_1(%arg0: i32) -> (i32, i32, i32) {
    %c0_i32 = arith.constant 0 : i32
    %c0_i32_0 = arith.constant 0 : i32
    %c0_i32_1 = arith.constant 0 : i32
    return %arg0, %c0_i32, %c0_i32_0 : i32, i32, i32
  }
  func.func @transform_2(%arg0: i32) -> (i32, i32, i32) {
    %c0_i32 = arith.constant 0 : i32
    %c0_i32_0 = arith.constant 0 : i32
    %c0_i32_1 = arith.constant 0 : i32
    return %arg0, %c0_i32, %c0_i32_0 : i32, i32, i32
  }
  func.func @transform_3(%arg0: i32) -> (i32, i32, i32) {
    %c0_i32 = arith.constant 0 : i32
    %c0_i32_0 = arith.constant 0 : i32
    %c0_i32_1 = arith.constant 0 : i32
    return %arg0, %c0_i32, %c0_i32_0 : i32, i32, i32
  }
  func.func @transform_4(%arg0: i32) -> (i32, i32, i32) {
    %c0_i32 = arith.constant 0 : i32
    %c0_i32_0 = arith.constant 0 : i32
    %c0_i32_1 = arith.constant 0 : i32
    return %arg0, %c0_i32, %c0_i32_0 : i32, i32, i32
  }
  func.func @transform_5(%arg0: i32) -> (i32, i32, i32) {
    %c0_i32 = arith.constant 0 : i32
    %c0_i32_0 = arith.constant 0 : i32
    %c0_i32_1 = arith.constant 0 : i32
    return %arg0, %c0_i32, %c0_i32_0 : i32, i32, i32
  }
}

</mosaic_0001>

<sc_bundles>
// kernel: gather_offload_async_start.1
scs
__scs_entry_jumppad:
0x0: {  	(pc) =	sbr.rel $0x88, $3  }
0x1: {  	(tag) =	ssettag $0x0;
	lr =	simm.s32 $0x1  }
0x2: {  	[smem:$0x3F9F] =	sst lr;
	_ =	strace $0xD0000000  }
0x3: {  	_ = 	snop  }
0x4: {  	_ = 	snop  }
0x5: {  	_ = 	snop  }
0x6: {  	_ = 	snop  }
0x7: {  	_ = 	snop  }
__scs_overlays_trampoline_lowered:
0x8: {  	[smem:$0x3FAE] =	sst s0  }
0x9: {  	[smem:$0x3FAF] =	sst s1  }
0xa: {  	[smem:$0x3FB0] =	sst s2  }
0xb: {  	[smem:$0x3FB1] =	sst s3  }
0xc: {  	[smem:$0x3FB2] =	sst s4  }
0xd: {  	[smem:$0x3FB3] =	sst s5  }
0xe: {  	[smem:$0x3FB4] =	sst s6  }
0xf: {  	[smem:$0x3FB5] =	sst s7  }
0x10: {  	[smem:$0x3FB6] =	sst s8  }
0x11: {  	[smem:$0x3FB7] =	sst s9;
	s0 =	simm.s32 @!p0 $0x0  }
0x12: {  	s1 =	sld [smem:$0x3F9D];
	s0 =	simm.s32 @p0 $0x1  }
0x13: {  	[smem:$0x3FB8] =	sst s0;
	s0 =	simm.s32 @!p1 $0x0  }
0x14: {  	s2 =	sld [smem:$0x3F9C];
	s0 =	simm.s32 @p1 $0x1  }
0x15: {  	[smem:$0x3FB9] =	sst s0;
	s0 =	simm.s32 @!p2 $0x0  }
0x16: {  	s3 =	sld [smem:$0x3FDB];
	s0 =	simm.s32 @p2 $0x1  }
0x17: {  	s4 =	simm.s32 $0x1BF5;
	[smem:$0x3FBB] =	sst s0  }
0x18: {  	s0 =	sld [smem:$0x3F9E];
	_ =	swait.ge [sflag:s4], $0x0  }
0x19: {  	s7 =	sld [smem:$0x3F9F]  }
0x1a: {  	s8 =	sadd.s32 $0xFFFFE003, lr  }
0x1b: {  	s9 =	sadd.s32 $0xFFFFFEF7, lr;
	s5 =	simm.s32 $0xFFFFFFFF;
	p2 =	slt.u32 s8, $0xFFFFF086  }
0x1c: {  	p1 =	slt.u32 s9, $0xF7A;
	s5 =	simm.s32 @!p2 $0x0  }
0x1d: {  	s5 =	simm.s32 @p1 $0x1;
	p0 =	seq.s32 s7, s2  }
0x1e: {  	s7 =	smul.u32 @!p0 $0xF7A, s2;
	p2 =	seq.s32 @!p0 s5, $0x0  }
0x1f: {  	s9 =	smul.u32 $0xF7A, s1;
	s8 =	simm.s32 @!p0 $0x1BF5;
	p2 =	por !p2, p0  }
0x20: {  	[sflag:s8] =	ssyncset.s32 @!p0 $0xFFFFF086;
	s6 =	sadd.s32 @!p0 s3, s7;
	s7 =	simm.s32 @!p0 $0x108  }
0x21: {  	s3 =	sadd.s32 s3, s9;
	s6 =	sadd.s32 @!p0 $0x88, s6;
	s7 =	simm.s32 @p2 $0x1082  }
0x22: {  	[simem:s7], [sflag:s8] =	dma.local @!p0 [hbm:s6], $0xF7A  }
0x23: {  	s9 =	sor.u32 $0xD0000000, s2;
	s6 =	simm.s32 $0x108;
	_ =	swait.ge @!p0 [sflag:s8], $0x0  }
0x24: {  	s3 =	sadd.s32 $0x88, s3;
	s6 =	simm.s32 @!p1 $0x1082;
	[sflag:s4] =	ssyncset.s32 $0xFFFFF086  }
0x25: {  	[simem:s6], [sflag:s4] =	dma.local [hbm:s3], $0xF7A  }
0x26: {  	[smem:$0x3F9F] =	sst s1;
	(tag) =	ssettag s2;
	_ =	strace s9  }
0x27: {  	s1 =	sld [smem:$0x3FAF]  }
0x28: {  	s2 =	sld [smem:$0x3FB0]  }
0x29: {  	s4 =	sld [smem:$0x3FB2]  }
0x2a: {  	p0 =	seq.s32 s5, $0x0;
	s5 =	sld [smem:$0x3FB3]  }
0x2b: {  	s6 =	sld [smem:$0x3FB4]  }
0x2c: {  	s7 =	sld [smem:$0x3FB5]  }
0x2d: {  	s3 =	simm.s32 $0x108;
	s8 =	sld [smem:$0x3FB6]  }
0x2e: {  	s3 =	simm.s32 @!p0 $0x1082;
	s9 =	sld [smem:$0x3FB7]  }
0x2f: {  	lr =	sadd.s32 s0, s3;
	s0 =	sld [smem:$0x3FAE]  }
0x30: {  	s3 =	sld [smem:$0x3FB1]  }
0x31: {  	[smem:$0x3FBA] =	sst s10  }
0x32: {  	s10 =	sld [smem:$0x3FB8];
	_ =	sdelay $0x3  }
0x33: {  	p0 =	seq.s32 s10, $0x1;
	s10 =	sld [smem:$0x3FBA];
	_ =	sdelay $0x3  }
0x34: {  	[smem:$0x3FBA] =	sst s10  }
0x35: {  	s10 =	sld [smem:$0x3FB9];
	_ =	sdelay $0x3  }
0x36: {  	p1 =	seq.s32 s10, $0x1;
	s10 =	sld [smem:$0x3FBA];
	_ =	sdelay $0x3  }
0x37: {  	[smem:$0x3FBA] =	sst s10  }
0x38: {  	s10 =	sld [smem:$0x3FBB]  }
0x39: {  	_ = 	snop;
	(pc) =	sbr.ind lr, $3  }
0x3a: {  	_ = 	snop  }
0x3b: {  	_ = 	snop  }
0x3c: {  	p2 =	seq.s32 s10, $0x1;
	s10 =	sld [smem:$0x3FBA]  }
0x3d: {  	_ =	shalt  }
0x3e: {  	_ =	shalt  }
0x3f: {  	_ =	shalt  }
0x40: {  	_ =	shalt  }
0x41: {  	_ =	shalt  }
0x42: {  	_ =	shalt  }
0x43: {  	_ =	shalt  }
0x44: {  	_ =	shalt  }
0x45: {  	_ =	shalt  }
0x46: {  	_ =	shalt  }
0x47: {  	_ =	shalt  }
0x48: {  	_ =	shalt  }
0x49: {  	_ =	shalt  }
0x4a: {  	_ =	shalt  }
0x4b: {  	_ =	shalt  }
0x4c: {  	_ =	shalt  }
0x4d: {  	_ =	shalt  }
0x4e: {  	_ =	shalt  }
0x4f: {  	_ =	shalt  }
0x50: {  	_ =	shalt  }
0x51: {  	_ =	shalt  }
0x52: {  	_ =	shalt  }
0x53: {  	_ =	shalt  }
0x54: {  	_ =	shalt  }
0x55: {  	_ =	shalt  }
0x56: {  	_ =	shalt  }
0x57: {  	_ =	shalt  }
0x58: {  	_ =	shalt  }
0x59: {  	_ =	shalt  }
0x5a: {  	_ =	shalt  }
0x5b: {  	_ =	shalt  }
0x5c: {  	_ =	shalt  }
0x5d: {  	_ =	shalt  }
0x5e: {  	_ =	shalt  }
0x5f: {  	_ =	shalt  }
0x60: {  	_ =	shalt  }
0x61: {  	_ =	shalt  }
0x62: {  	_ =	shalt  }
0x63: {  	_ =	shalt  }
0x64: {  	_ =	shalt  }
0x65: {  	_ =	shalt  }
0x66: {  	_ =	shalt  }
0x67: {  	_ =	shalt  }
0x68: {  	_ =	shalt  }
0x69: {  	_ =	shalt  }
0x6a: {  	_ =	shalt  }
0x6b: {  	_ =	shalt  }
0x6c: {  	_ =	shalt  }
0x6d: {  	_ =	shalt  }
0x6e: {  	_ =	shalt  }
0x6f: {  	_ =	shalt  }
0x70: {  	_ =	shalt  }
0x71: {  	_ =	shalt  }
0x72: {  	_ =	shalt  }
0x73: {  	_ =	shalt  }
0x74: {  	_ =	shalt  }
0x75: {  	_ =	shalt  }
0x76: {  	_ =	shalt  }
0x77: {  	_ =	shalt  }
0x78: {  	_ =	shalt  }
0x79: {  	_ =	shalt  }
0x7a: {  	_ =	shalt  }
0x7b: {  	_ =	shalt  }
0x7c: {  	_ =	shalt  }
0x7d: {  	_ =	shalt  }
0x7e: {  	_ =	shalt  }
0x7f: {  	_ =	shalt  }
0x80: {  	_ =	shalt  }
0x81: {  	_ =	shalt  }
0x82: {  	_ =	shalt  }
0x83: {  	_ =	shalt  }
0x84: {  	_ =	shalt  }
0x85: {  	_ =	shalt  }
0x86: {  	_ =	shalt  }
0x87: {  	_ =	shalt  }
.Lfunc_end0:
.L_simem_size_0:
called_computation.1_lowered:
.L_overlay_start_0:
0x88: {  	s2 =	sld [smem:$0x3FD9]  }
0x89: {  	s3 =	sld [smem:$0x3FFE];
	_ =	sdelay $0x1  }
0x8a: {  	s1 =	srdreg.scid  }
0x8b: {  	s0 =	sand.u32 $0x1, s1  }
0x8c: {  	s16 =	sshll.u32 s0, $0xA;
	s2 =	sadd.s32 s3, s2  }
0x8d: {  	s2 =	sadd.s32 s2, s16  }
0x8e: {  	[smem:$0x3FC6] =	sst s2  }
0x8f: {  	_ = 	snop  }
0x90: {  	(tm) =	ssettm $0x1  }
0x91: {  	s17 =	sld [smem:$0x3FFB];
	_ =	sdelay $0x3  }
0x92: {  	_ =	strace s17  }
0x93: {  	s2 =	sld [smem:$0x3FFC];
	_ =	sdelay $0x3  }
0x94: {  	_ =	strace s2  }
0x95: {  	s2 =	sld [smem:$0x3FFD];
	_ =	sdelay $0x3  }
0x96: {  	_ =	strace s2  }
0x97: {  	_ =	strace $0x8FFFFFFF  }
0x98: {  	s18 =	sld [smem:$0x3FDB];
	_ =	sdelay $0x1  }
0x99: {  	s19 =	simm.s32 $_scs_section_size  }
0x9a: {  	s4 =	simm.s32 $_size__tile_overlayer_lowered;
	s5 =	simm.s32 $_tile_overlayer_lowered  }
0x9b: {  	s22 =	simm.s32 $0x1BFF;
	s21 =	sshll.u32 s5, $0x1;
	s2 =	sadd.s32 s19, s18  }
0x9c: {  	s6 =	simm.s32 $0x0;
	s20 =	sshll.u32 s4, $0x1;
	s4 =	sadd.s32 s21, s2  }
0x9d: {  	[timem:s6], [sflag:s22] =	dma.local [hbm:s4], s20  }
0x9e: {  	_ =	swait.ge [sflag:s22], s20  }
0x9f: {  	s3 =	ssub.s32 $0x0, s20;
	[sflag:s22] =	ssyncset.done $0x0  }
0xa0: {  	[sflag:s22] =	ssyncadd.s32 s3;
	_ =	sdelay $0x1  }
0xa1: {  	s23 =	simm.s32 $0x1B8B  }
0xa2: {  	_ =	swait.ge [sflag:s23], $0x1  }
0xa3: {  	[sflag:s23] =	ssyncset.done $0x0  }
0xa4: {  	s25 =	simm.s32 $0x1B8E;
	s24 =	sld [smem:$0x3FFE];
	[sflag:s23] =	ssyncadd.s32 $0xFFFFFFFF  }
0xa5: {  	s26 =	simm.s32 $execute0_lowered;
	[smem:$0x3FD2] =	sst s25  }
0xa6: {  	s4 =	sshll.u32 s26, $0x1;
	_ =	strace $0x80000046;
	[dreg:$0x1] =	wrdreg $0xFFFFFFFF  }
0xa7: {  	s28 =	simm.s32 $_size_execute0_lowered;
	s2 =	sadd.s32 s2, s4;
	[dreg:$0x0] =	wrdreg $0x0  }
0xa8: {  	s4 =	sshll.u32 s28, $0x1;
	[dreg:$0x2] =	wrdreg s2  }
0xa9: {  	[dreg:$0x3] =	wrdreg s4  }
0xaa: {  	[dreg:$0x4] =	wrdreg $0xC0  }
0xab: {  	_ =	task [dreg:s6], $0x5FFFF  }
0xac: {  	[dreg:$0x1] =	wrdreg $0xFFFFFFFF  }
0xad: {  	[dreg:$0x0] =	wrdreg $0x60  }
0xae: {  	[dreg:$0x2] =	wrdreg s24  }
0xaf: {  	[dreg:$0x3] =	wrdreg $0x9  }
0xb0: {  	_ =	task.clear_ibuf [dreg:s6], $0x4FFFF;
	_ =	strace $0x90000046  }
0xb1: {  	s29 =	simm.s32 $0x9;
	_ =	strace $0x80000048  }
0xb2: {  	_ =	swait.ge [sflag:s29], $0x1  }
0xb3: {  	[sflag:s29] =	ssyncadd.s32 $0xFFFFFFFF  }
0xb4: {  	_ =	strace $0x90000048  }
0xb5: {  	_ =	sfence  }
0xb6: {  	s30 =	sld [smem:$0x0];
	_ =	sdelay $0x2  }
0xb7: {  	s31 =	sshll.u32 s1, $0xD;
	s1 =	sshrl.u32 s1, $0x2  }
0xb8: {  	s3 =	sand.u32 $0x4000, s31;
	s1 =	sadd.s32 s1, s30  }
0xb9: {  	s0 =	sor.u32 s3, s0;
	s1 =	sshll.u32 s1, $0x11  }
0xba: {  	s0 =	sor.u32 s1, s0  }
0xbb: {  	s0 =	sadd.s32 $0x8F2B, s0  }
0xbc: {  	[sflag:s0] =	ssyncadd.remote.s32 $0x1  }
0xbd: {  	_ =	sfence.sel $0xFFFF  }
0xbe: {  	[dreg:$0x0] =	wrdreg $0xFFFFFFFF;
	(pc) =	sbr.abs _section_cstart, $3  }
0xbf: {  	[dreg:$0x1] =	wrdreg $0xFFFFFFFF  }
0xc0: {  	_ =	task.clear_ibuf [dreg:s6], $0x2FFFF;
	_ =	strace $0x9FFFFFFF  }
0xc1: {  	(tm) =	ssettm $0x7FFFFFFF  }
tec
execute0_lowered:
.L_overlay_start_1:
0x0: {  	(tag) =	ssettag $0x1  }
0x1: {  	s0 =	srdreg.scid;
	s5 =	rddreg [dreg:$0x0]  }
0x2: {  	s1 =	stileid.u32;
	s6 =	simm.s32 $0x1;
	s9 =	simm.s32 $0x1  }
0x3: {  	s10 =	simm.s32 $0x3;
	s13 =	simm.s32 $0x0;
	s2 =	sshll.u32 s0, $0xF  }
0x4: {  	s12 =	simm.s32 $0x0;
	s3 =	sshll.u32 s1, $0x10;
	s2 =	sand.u32 $0x8000, s2  }
0x5: {  	s0 =	rddreg [dreg:$0x1];
	_ =	strace $0x80000047;
	s2 =	sor.u32 s3, s2  }
0x6: {  	s4 =	sadd.s32 $0x80000, s5;
	[sflag:s6] =	ssyncpa.u1 $0x0;
	s8 =	ssub.s32 $0x200000, s2  }
.Ltmp0:
0x7: {  	s3 =	sadd.s32 $0x40000, s5;
	s7 =	sand.u32 $0xF8000, s8;
	(pc) =	sbr.rel .LBB2_1-.Ltmp0, $4  }
0x8: {  	s5 =	sadd.s32 $0xC0000, s5;
	s11 =	smov.u32 s2;
	p0 =	sne.s32 s7, $0x0  }
0x9: {  	s8 =	sshrl.u32 s8, $0x14;
	s7 =	simm.s32 $0x2;
	s9 =	simm.s32 @!p0 $0x0  }
0xa: {  	[sflag:s7] =	ssyncpa.u1 $0x0;
	p0 =	por $0x0, $0x0;
	s8 =	sadd.s32 s9, s8  }
0xb: {  	vm0 =	vmmov $0xffff;
	[sflag:s10] =	ssyncpa.u1 $0x0;
	s10 =	simm.s32 $0x0;
	s9 =	sadd.s32 $0x1, s8  }
.LBB2_4:
0xc: {  	v5 =	vld.msk [tilespmem:s18+$0x0 ss:$0x1], $0xffff  }
0xd: {  	v6 =	vand.u32 $0x7, v1;
	v7 =	vshrl.u32 v1, $0x3  }
0xe: {  	v3 =	vor.u32 v4, v3;
	vm1 =	veq.s32 v1, $0x80000000;
	v52 =	vand.u32 $0x3FFFF, v7  }
0xf: {  	v2 =	vor.u32 v2, v3;
	v53 =	vsel vm1, $0xFFFFFFFF, v6;
	v1 =	vsel vm1, $0xFFFFFFFF, v52  }
0x10: {  	v6 =	vshll.u32 v53, $0x7;
	v3 =	vand.u32 $0xFFE00000, v53;
	v54 =	vand.u32 $0x7F, v1  }
0x11: {  	v1 =	vshll.u32 v1, $0x3;
	v6 =	vand.u32 $0x380, v6;
	v55 =	vshrl.u32 v5, $0x3  }
0x12: {  	v1 =	vand.u32 $0xFFFFFC00, v1;
	vm1 =	veq.s32 v5, $0x80000000;
	v56 =	vand.u32 $0x3FFFF, v55  }
0x13: {  	v1 =	vadd.s32 v3, v1;
	v5 =	vand.u32 $0x7, v5;
	v3 =	vsel vm1, $0xFFFFFFFF, v56  }
0x14: {  	v1 =	vor.u32 v6, v1;
	v5 =	vsel vm1, $0xFFFFFFFF, v5;
	v57 =	vshll.u32 v3, $0x3  }
0x15: {  	v58 =	vshll.u32 v5, $0x7;
	v5 =	vand.u32 $0xFFE00000, v5;
	v6 =	vand.u32 $0xFFFFFC00, v57  }
0x16: {  	v1 =	vor.u32 v54, v1;
	v60 =	vand.u32 $0x380, v58;
	v59 =	vadd.s32 v5, v6  }
0x17: {  	[tilespmem:s16], [sflag:$0x1] =	stream.indirect_vreg.gather [hbm4b:s3+s10], $0x1, v0, vm0, $0x4038;
	v61 =	vand.u32 $0x7F, v3;
	v62 =	vor.u32 v60, v59;
	v63 =	vld [tilespmem:$0x0]  }
0x18: {  	(ifvalue) =	ssetifvalue $0x7FFFFFFF;
	v0 =	vor.u32 v61, v62  }
0x19: {  	[tilespmem:s15], [sflag:$0x1] =	stream.indirect_vreg.gather [hbm4b:s3+s10], $0x1, v2, vm0, $0x4038;
	v63 =	vld [tilespmem:$0x0]  }
0x1a: {  	s29 =	sadd.s32 $0x10, s15;
	(ifvalue) =	ssetifvalue $0x7FFFFFFF  }
0x1b: {  	[tilespmem:s29], [sflag:$0x1] =	stream.indirect_vreg.gather [hbm4b:s3+s10], $0x1, v1, vm0, $0x4038;
	v63 =	vld [tilespmem:$0x0]  }
0x1c: {  	s15 =	sadd.s32 $0x10, s29;
	(ifvalue) =	ssetifvalue $0x7FFFFFFF  }
0x1d: {  	[tilespmem:s15], [sflag:$0x1] =	stream.indirect_vreg.gather [hbm4b:s3+s10], $0x1, v0, vm0, $0x4038;
	v63 =	vld [tilespmem:$0x0]  }
0x1e: {  	_ =	swait.ge [sflag:s6], $0x8000  }
0x1f: {  	s30 =	sshrl.u32 s13, $0x3;
	[sflag:s6] =	ssyncset.done $0x0  }
0x20: {  	s31 =	sand.u32 $0x7, s13;
	s15 =	sadd.s32 s5, s30;
	[sflag:s6] =	ssyncadd.s32 $0xFFFF8000  }
0x21: {  	[hbm4b:s15+s31] =	stream.linear.scatter [tilespmem:s14], [sflag:$0x3], $0x8000, $0x38;
	v63 =	vld [tilespmem:$0x0]  }
.LBB2_5:
0x22: {  	s15 =	sadd.s32 $0x100000, s11  }
0x23: {  	p2 =	sgt.s32 s15, $0x1FFFFF  }
0x24: {  	s15 =	smov.u32 @p2 s2;
	p2 =	sne.s32 s12, s9  }
.Ltmp1:
0x25: {  	p1 =	slt.u32 s12, $0x2;
	(pc) =	sbr.rel @!p2 .LBB2_6-.Ltmp1, $4  }
0x26: {  	s14 =	simm.s32 @!p1 $0x3  }
0x27: {  	s16 =	sadd.s32 $0x1, s12;
	_ =	swait.ge @!p1 [sflag:s14], $0x8000  }
0x28: {  	s13 =	smov.u32 s11;
	p0 =	por !p0, !p0;
	[sflag:s14] =	ssyncset.done @!p1 $0x0  }
0x29: {  	s12 =	smov.u32 s16;
	s11 =	smov.u32 s15;
	[sflag:s14] =	ssyncadd.s32 @!p1 $0xFFFF8000  }
.LBB2_1:
0x2a: {  	p1 =	sge.u32 s12, s8  }
0x2b: {  	s14 =	sxor.u32 @!p1 $0xFFFFFFFF, s12  }
0x2c: {  	s31 =	sadd.s32 $0xFFFFFFFF, s12;
	s15 =	sshrl.u32 @!p1 s11, $0x3;
	s14 =	sshll.u32 @!p1 s14, $0xF  }
0x2d: {  	s16 =	sand.u32 @!p1 $0x7, s11;
	s15 =	sadd.s32 @!p1 s4, s15;
	s14 =	sand.u32 @!p1 $0x8000, s14  }
0x2e: {  	[tilespmem:s14], [sflag:$0x2] =	stream.linear.gather @!p1 [hbm4b:s15+s16], $0x8000, $0x38;
	v63 =	vld [tilespmem:$0x0]  }
0x2f: {  	p1 =	sge.u32 s31, s8  }
.Ltmp2:
0x30: {  	_ = 	snop;
	(pc) =	sbr.rel @p1 .LBB2_5-.Ltmp2, $1  }
0x31: {  	_ =	sdelay $0x3  }
0x32: {  	s14 =	simm.s32 $0x1  }
0x33: {  	_ =	swait.ge [sflag:s7], $0x8000;
	s14 =	simm.s32 @!p0 $0x0  }
0x34: {  	[sflag:s7] =	ssyncset.done $0x0;
	s14 =	sshll.u32 s14, $0xF  }
0x35: {  	[sflag:s7] =	ssyncadd.s32 $0xFFFF8000;
	(ifvalue) =	ssetifvalue $0x7FFFFFFF;
	v0 =	vld.msk [tilespmem:s14+$0x0 ss:$0x1], $0xffff;
	_ =	sdelay $0x4  }
0x36: {  	s15 =	sadd.s32 $0x10, s14;
	v2 =	vshrl.u32 v0, $0x3  }
0x37: {  	v1 =	vld.msk [tilespmem:s15+$0x0 ss:$0x1], $0xffff;
	vm1 =	veq.s32 v0, $0x80000000;
	v2 =	vand.u32 $0x3FFFF, v2  }
0x38: {  	v0 =	vand.u32 $0x7, v0;
	v2 =	vsel vm1, $0xFFFFFFFF, v2  }
0x39: {  	v0 =	vsel vm1, $0xFFFFFFFF, v0;
	v3 =	vshll.u32 v2, $0x3  }
0x3a: {  	v4 =	vand.u32 $0xFFE00000, v0;
	v0 =	vshll.u32 v0, $0x7;
	v3 =	vand.u32 $0xFFFFFC00, v3  }
0x3b: {  	v0 =	vand.u32 $0x380, v0;
	v3 =	vadd.s32 v4, v3  }
0x3c: {  	v2 =	vand.u32 $0x7F, v2;
	v4 =	vshrl.u32 v1, $0x3;
	v0 =	vor.u32 v0, v3  }
0x3d: {  	vm1 =	veq.s32 v1, $0x80000000;
	v4 =	vand.u32 $0x3FFFF, v4;
	v0 =	vor.u32 v2, v0  }
0x3e: {  	s16 =	sshll.u32 s12, $0xF;
	s15 =	sadd.s32 $0x10, s15;
	v1 =	vand.u32 $0x7, v1;
	v3 =	vsel vm1, $0xFFFFFFFF, v4  }
0x3f: {  	s17 =	sand.u32 $0x8000, s16;
	v2 =	vsel vm1, $0xFFFFFFFF, v1;
	v1 =	vld.msk [tilespmem:s15+$0x0 ss:$0x1], $0xffff;
	v4 =	vshll.u32 v3, $0x3  }
0x40: {  	s16 =	sor.u32 $0x10000, s14;
	s14 =	sor.u32 $0x10000, s17;
	s17 =	simm.s32 $0x30;
	v5 =	vshll.u32 v2, $0x7;
	v6 =	vand.u32 $0xFFE00000, v2;
	v4 =	vand.u32 $0xFFFFFC00, v4  }
0x41: {  	s18 =	sadd.s32 $0x10, s15;
	(ifvalue) =	ssetifvalue $0x7FFFFFFF;
	s15 =	sadd.s32 $0x10, s16;
	v2 =	vand.u32 $0x7F, v3;
	v3 =	vadd.s32 v6, v4;
	v4 =	vand.u32 $0x380, v5  }
.LBB2_3:
0x42: {  	[tilespmem:s16], [sflag:$0x1] =	stream.indirect_vreg.gather [hbm4b:s3+s10], $0x1, v0, vm0, $0x4038;
	v63 =	vld [tilespmem:$0x0]  }
0x43: {  	s17 =	sadd.s32 $0x10, s17  }
0x44: {  	v5 =	vand.u32 $0x7, v1;
	v6 =	vshrl.u32 v1, $0x3;
	v3 =	vor.u32 v4, v3;
	v0 =	vmovc v1;
	v1 =	vld.msk [tilespmem:s18+$0x0 ss:$0x1], $0xffff;
	p1 =	slt.u32 s17, $0x7FF0  }
.Ltmp3:
0x45: {  	s16 =	smov.u32 s15;
	vm1 =	veq.s32 v0, $0x80000000;
	v4 =	vand.u32 $0x3FFFF, v6;
	v0 =	vor.u32 v2, v3;
	(pc) =	sbr.rel @p1 .LBB2_3-.Ltmp3, $4  }
0x46: {  	v3 =	vsel vm1, $0xFFFFFFFF, v5;
	v4 =	vsel vm1, $0xFFFFFFFF, v4  }
0x47: {  	v2 =	vand.u32 $0x7F, v4;
	v4 =	vshll.u32 v4, $0x3;
	v5 =	vshll.u32 v3, $0x7  }
0x48: {  	v3 =	vand.u32 $0xFFE00000, v3;
	v4 =	vand.u32 $0xFFFFFC00, v4  }
0x49: {  	s18 =	sadd.s32 $0x10, s18;
	s15 =	sadd.s32 $0x10, s15;
	v3 =	vadd.s32 v3, v4;
	v4 =	vand.u32 $0x380, v5;
	(ifvalue) =	ssetifvalue $0x7FFFFFFF  }
.Ltmp4:
0x4a: {  	_ = 	snop;
	(pc) =	sbr.rel .LBB2_4-.Ltmp4, $1  }
0x4b: {  	_ =	sdelay $0x3  }
.LBB2_6:
0x4c: {  	_ =	sfence.sel $0x180000  }
0x4d: {  	s2 =	simm.s32 $0x2;
	[bflag:$0x0] =	sbarrier.arrive $0xFFFF  }
0x4e: {  	s30 =	simm.s32 $0x3;
	[sflag:s2] =	ssyncpa.u1 $0x1  }
0x4f: {  	s31 =	simm.s32 $0x1;
	[sflag:s30] =	ssyncpa.u1 $0x1  }
0x50: {  	[sflag:s31] =	ssyncpa.u1 $0x1  }
0x51: {  	p0 =	sne.s32 s1, $0x0;
	_ =	strace $0x90000047  }
0x52: {  	s0 =	sadd.s32 @!p0 $0x100000, s0;
	[bflag:$0x2] =	sbarrier.arrive $0xFFFF  }
0x53: {  	[sflag:s0] =	ssyncadd.tile.s32 @!p0 $0x1;
	_ =	shalt  }
.Lfunc_end2:
_tile_overlayer_lowered:
.L_overlay_start_2:
0x54: {  	(tag) =	ssettag $0x2  }
0x55: {  	s0 =	rddreg [dreg:$0x0];
	s2 =	stileid.u32  }
0x56: {  	s1 =	rddreg [dreg:$0x1];
	p0 =	sne.s32 s2, $0x0  }
0x57: {  	s3 =	rddreg [dreg:$0x2];
	[bflag:$0x3] =	sbarrier.arrive $0xFFFF;
	s2 =	simm.s32 @!p0 $0x1C01  }
0x58: {  	[timem:s3], [sflag:s2] =	dma.local @!p0 [hbm:s0], s1  }
0x59: {  	s0 =	simm.s32 @!p0 $0x1  }
0x5a: {  	_ =	swait.ge @!p0 [sflag:s0], s1  }
0x5b: {  	s1 =	ssub.s32 @!p0 $0x0, s1;
	[sflag:s0] =	ssyncset.done @!p0 $0x0  }
0x5c: {  	[sflag:s0] =	ssyncadd.s32 @!p0 s1  }
0x5d: {  	[bflag:$0x3] =	sbarrier.arrive $0xFFFF  }
0x5e: {  	_ =	shalt  }

// kernel: gather_offload_async_start
scs
__scs_entry_jumppad:
0x0: {  	(pc) =	sbr.rel $0x88, $3  }
0x1: {  	(tag) =	ssettag $0x0;
	lr =	simm.s32 $0x1  }
0x2: {  	[smem:$0x3F9F] =	sst lr;
	_ =	strace $0xD0000000  }
0x3: {  	_ = 	snop  }
0x4: {  	_ = 	snop  }
0x5: {  	_ = 	snop  }
0x6: {  	_ = 	snop  }
0x7: {  	_ = 	snop  }
__scs_overlays_trampoline_lowered:
0x8: {  	[smem:$0x3FAE] =	sst s0  }
0x9: {  	[smem:$0x3FAF] =	sst s1  }
0xa: {  	[smem:$0x3FB0] =	sst s2  }
0xb: {  	[smem:$0x3FB1] =	sst s3  }
0xc: {  	[smem:$0x3FB2] =	sst s4  }
0xd: {  	[smem:$0x3FB3] =	sst s5  }
0xe: {  	[smem:$0x3FB4] =	sst s6  }
0xf: {  	[smem:$0x3FB5] =	sst s7  }
0x10: {  	[smem:$0x3FB6] =	sst s8  }
0x11: {  	[smem:$0x3FB7] =	sst s9;
	s0 =	simm.s32 @!p0 $0x0  }
0x12: {  	s1 =	sld [smem:$0x3F9D];
	s0 =	simm.s32 @p0 $0x1  }
0x13: {  	[smem:$0x3FB8] =	sst s0;
	s0 =	simm.s32 @!p1 $0x0  }
0x14: {  	s2 =	sld [smem:$0x3F9C];
	s0 =	simm.s32 @p1 $0x1  }
0x15: {  	[smem:$0x3FB9] =	sst s0;
	s0 =	simm.s32 @!p2 $0x0  }
0x16: {  	s3 =	sld [smem:$0x3FDB];
	s0 =	simm.s32 @p2 $0x1  }
0x17: {  	s4 =	simm.s32 $0x1BF5;
	[smem:$0x3FBB] =	sst s0  }
0x18: {  	s0 =	sld [smem:$0x3F9E];
	_ =	swait.ge [sflag:s4], $0x0  }
0x19: {  	s7 =	sld [smem:$0x3F9F]  }
0x1a: {  	s8 =	sadd.s32 $0xFFFFE003, lr  }
0x1b: {  	s9 =	sadd.s32 $0xFFFFFEF7, lr;
	s5 =	simm.s32 $0xFFFFFFFF;
	p2 =	slt.u32 s8, $0xFFFFF086  }
0x1c: {  	p1 =	slt.u32 s9, $0xF7A;
	s5 =	simm.s32 @!p2 $0x0  }
0x1d: {  	s5 =	simm.s32 @p1 $0x1;
	p0 =	seq.s32 s7, s2  }
0x1e: {  	s7 =	smul.u32 @!p0 $0xF7A, s2;
	p2 =	seq.s32 @!p0 s5, $0x0  }
0x1f: {  	s9 =	smul.u32 $0xF7A, s1;
	s8 =	simm.s32 @!p0 $0x1BF5;
	p2 =	por !p2, p0  }
0x20: {  	[sflag:s8] =	ssyncset.s32 @!p0 $0xFFFFF086;
	s6 =	sadd.s32 @!p0 s3, s7;
	s7 =	simm.s32 @!p0 $0x108  }
0x21: {  	s3 =	sadd.s32 s3, s9;
	s6 =	sadd.s32 @!p0 $0x88, s6;
	s7 =	simm.s32 @p2 $0x1082  }
0x22: {  	[simem:s7], [sflag:s8] =	dma.local @!p0 [hbm:s6], $0xF7A  }
0x23: {  	s9 =	sor.u32 $0xD0000000, s2;
	s6 =	simm.s32 $0x108;
	_ =	swait.ge @!p0 [sflag:s8], $0x0  }
0x24: {  	s3 =	sadd.s32 $0x88, s3;
	s6 =	simm.s32 @!p1 $0x1082;
	[sflag:s4] =	ssyncset.s32 $0xFFFFF086  }
0x25: {  	[simem:s6], [sflag:s4] =	dma.local [hbm:s3], $0xF7A  }
0x26: {  	[smem:$0x3F9F] =	sst s1;
	(tag) =	ssettag s2;
	_ =	strace s9  }
0x27: {  	s1 =	sld [smem:$0x3FAF]  }
0x28: {  	s2 =	sld [smem:$0x3FB0]  }
0x29: {  	s4 =	sld [smem:$0x3FB2]  }
0x2a: {  	p0 =	seq.s32 s5, $0x0;
	s5 =	sld [smem:$0x3FB3]  }
0x2b: {  	s6 =	sld [smem:$0x3FB4]  }
0x2c: {  	s7 =	sld [smem:$0x3FB5]  }
0x2d: {  	s3 =	simm.s32 $0x108;
	s8 =	sld [smem:$0x3FB6]  }
0x2e: {  	s3 =	simm.s32 @!p0 $0x1082;
	s9 =	sld [smem:$0x3FB7]  }
0x2f: {  	lr =	sadd.s32 s0, s3;
	s0 =	sld [smem:$0x3FAE]  }
0x30: {  	s3 =	sld [smem:$0x3FB1]  }
0x31: {  	[smem:$0x3FBA] =	sst s10  }
0x32: {  	s10 =	sld [smem:$0x3FB8];
	_ =	sdelay $0x3  }
0x33: {  	p0 =	seq.s32 s10, $0x1;
	s10 =	sld [smem:$0x3FBA];
	_ =	sdelay $0x3  }
0x34: {  	[smem:$0x3FBA] =	sst s10  }
0x35: {  	s10 =	sld [smem:$0x3FB9];
	_ =	sdelay $0x3  }
0x36: {  	p1 =	seq.s32 s10, $0x1;
	s10 =	sld [smem:$0x3FBA];
	_ =	sdelay $0x3  }
0x37: {  	[smem:$0x3FBA] =	sst s10  }
0x38: {  	s10 =	sld [smem:$0x3FBB]  }
0x39: {  	_ = 	snop;
	(pc) =	sbr.ind lr, $3  }
0x3a: {  	_ = 	snop  }
0x3b: {  	_ = 	snop  }
0x3c: {  	p2 =	seq.s32 s10, $0x1;
	s10 =	sld [smem:$0x3FBA]  }
0x3d: {  	_ =	shalt  }
0x3e: {  	_ =	shalt  }
0x3f: {  	_ =	shalt  }
0x40: {  	_ =	shalt  }
0x41: {  	_ =	shalt  }
0x42: {  	_ =	shalt  }
0x43: {  	_ =	shalt  }
0x44: {  	_ =	shalt  }
0x45: {  	_ =	shalt  }
0x46: {  	_ =	shalt  }
0x47: {  	_ =	shalt  }
0x48: {  	_ =	shalt  }
0x49: {  	_ =	shalt  }
0x4a: {  	_ =	shalt  }
0x4b: {  	_ =	shalt  }
0x4c: {  	_ =	shalt  }
0x4d: {  	_ =	shalt  }
0x4e: {  	_ =	shalt  }
0x4f: {  	_ =	shalt  }
0x50: {  	_ =	shalt  }
0x51: {  	_ =	shalt  }
0x52: {  	_ =	shalt  }
0x53: {  	_ =	shalt  }
0x54: {  	_ =	shalt  }
0x55: {  	_ =	shalt  }
0x56: {  	_ =	shalt  }
0x57: {  	_ =	shalt  }
0x58: {  	_ =	shalt  }
0x59: {  	_ =	shalt  }
0x5a: {  	_ =	shalt  }
0x5b: {  	_ =	shalt  }
0x5c: {  	_ =	shalt  }
0x5d: {  	_ =	shalt  }
0x5e: {  	_ =	shalt  }
0x5f: {  	_ =	shalt  }
0x60: {  	_ =	shalt  }
0x61: {  	_ =	shalt  }
0x62: {  	_ =	shalt  }
0x63: {  	_ =	shalt  }
0x64: {  	_ =	shalt  }
0x65: {  	_ =	shalt  }
0x66: {  	_ =	shalt  }
0x67: {  	_ =	shalt  }
0x68: {  	_ =	shalt  }
0x69: {  	_ =	shalt  }
0x6a: {  	_ =	shalt  }
0x6b: {  	_ =	shalt  }
0x6c: {  	_ =	shalt  }
0x6d: {  	_ =	shalt  }
0x6e: {  	_ =	shalt  }
0x6f: {  	_ =	shalt  }
0x70: {  	_ =	shalt  }
0x71: {  	_ =	shalt  }
0x72: {  	_ =	shalt  }
0x73: {  	_ =	shalt  }
0x74: {  	_ =	shalt  }
0x75: {  	_ =	shalt  }
0x76: {  	_ =	shalt  }
0x77: {  	_ =	shalt  }
0x78: {  	_ =	shalt  }
0x79: {  	_ =	shalt  }
0x7a: {  	_ =	shalt  }
0x7b: {  	_ =	shalt  }
0x7c: {  	_ =	shalt  }
0x7d: {  	_ =	shalt  }
0x7e: {  	_ =	shalt  }
0x7f: {  	_ =	shalt  }
0x80: {  	_ =	shalt  }
0x81: {  	_ =	shalt  }
0x82: {  	_ =	shalt  }
0x83: {  	_ =	shalt  }
0x84: {  	_ =	shalt  }
0x85: {  	_ =	shalt  }
0x86: {  	_ =	shalt  }
0x87: {  	_ =	shalt  }
.Lfunc_end0:
.L_simem_size_0:
called_computation_lowered:
.L_overlay_start_0:
0x88: {  	s2 =	sld [smem:$0x3FD9]  }
0x89: {  	s3 =	sld [smem:$0x3FFE];
	_ =	sdelay $0x1  }
0x8a: {  	s1 =	srdreg.scid  }
0x8b: {  	s0 =	sand.u32 $0x1, s1  }
0x8c: {  	s16 =	sshll.u32 s0, $0xA;
	s2 =	sadd.s32 s3, s2  }
0x8d: {  	s2 =	sadd.s32 s2, s16  }
0x8e: {  	[smem:$0x3FC6] =	sst s2  }
0x8f: {  	_ = 	snop  }
0x90: {  	(tm) =	ssettm $0x1  }
0x91: {  	s17 =	sld [smem:$0x3FFB];
	_ =	sdelay $0x3  }
0x92: {  	_ =	strace s17  }
0x93: {  	s2 =	sld [smem:$0x3FFC];
	_ =	sdelay $0x3  }
0x94: {  	_ =	strace s2  }
0x95: {  	s2 =	sld [smem:$0x3FFD];
	_ =	sdelay $0x3  }
0x96: {  	_ =	strace s2  }
0x97: {  	_ =	strace $0x8FFFFFFF  }
0x98: {  	s18 =	sld [smem:$0x3FDB];
	_ =	sdelay $0x1  }
0x99: {  	s19 =	simm.s32 $_scs_section_size  }
0x9a: {  	s4 =	simm.s32 $_size__tile_overlayer_lowered;
	s5 =	simm.s32 $_tile_overlayer_lowered  }
0x9b: {  	s22 =	simm.s32 $0x1BFF;
	s21 =	sshll.u32 s5, $0x1;
	s2 =	sadd.s32 s19, s18  }
0x9c: {  	s6 =	simm.s32 $0x0;
	s20 =	sshll.u32 s4, $0x1;
	s4 =	sadd.s32 s21, s2  }
0x9d: {  	[timem:s6], [sflag:s22] =	dma.local [hbm:s4], s20  }
0x9e: {  	_ =	swait.ge [sflag:s22], s20  }
0x9f: {  	s3 =	ssub.s32 $0x0, s20;
	[sflag:s22] =	ssyncset.done $0x0  }
0xa0: {  	[sflag:s22] =	ssyncadd.s32 s3;
	_ =	sdelay $0x1  }
0xa1: {  	s23 =	simm.s32 $0x1B8B  }
0xa2: {  	_ =	swait.ge [sflag:s23], $0x1  }
0xa3: {  	[sflag:s23] =	ssyncset.done $0x0  }
0xa4: {  	s25 =	simm.s32 $0x1B8E;
	s24 =	sld [smem:$0x3FFE];
	[sflag:s23] =	ssyncadd.s32 $0xFFFFFFFF  }
0xa5: {  	s26 =	simm.s32 $execute0_lowered;
	[smem:$0x3FD2] =	sst s25  }
0xa6: {  	s4 =	sshll.u32 s26, $0x1;
	_ =	strace $0x80000049;
	[dreg:$0x1] =	wrdreg $0xFFFFFFFF  }
0xa7: {  	s28 =	simm.s32 $_size_execute0_lowered;
	s2 =	sadd.s32 s2, s4;
	[dreg:$0x0] =	wrdreg $0x0  }
0xa8: {  	s4 =	sshll.u32 s28, $0x1;
	[dreg:$0x2] =	wrdreg s2  }
0xa9: {  	[dreg:$0x3] =	wrdreg s4  }
0xaa: {  	[dreg:$0x4] =	wrdreg $0xC0  }
0xab: {  	_ =	task [dreg:s6], $0x5FFFF  }
0xac: {  	[dreg:$0x1] =	wrdreg $0xFFFFFFFF  }
0xad: {  	[dreg:$0x0] =	wrdreg $0x60  }
0xae: {  	[dreg:$0x2] =	wrdreg s24  }
0xaf: {  	[dreg:$0x3] =	wrdreg $0x9  }
0xb0: {  	_ =	task.clear_ibuf [dreg:s6], $0x4FFFF;
	_ =	strace $0x90000049  }
0xb1: {  	s29 =	simm.s32 $0x9;
	_ =	strace $0x8000004B  }
0xb2: {  	_ =	swait.ge [sflag:s29], $0x1  }
0xb3: {  	[sflag:s29] =	ssyncadd.s32 $0xFFFFFFFF  }
0xb4: {  	_ =	strace $0x9000004B  }
0xb5: {  	_ =	sfence  }
0xb6: {  	s30 =	sld [smem:$0x0];
	_ =	sdelay $0x2  }
0xb7: {  	s31 =	sshll.u32 s1, $0xD;
	s1 =	sshrl.u32 s1, $0x2  }
0xb8: {  	s3 =	sand.u32 $0x4000, s31;
	s1 =	sadd.s32 s1, s30  }
0xb9: {  	s0 =	sor.u32 s3, s0;
	s1 =	sshll.u32 s1, $0x11  }
0xba: {  	s0 =	sor.u32 s1, s0  }
0xbb: {  	s0 =	sadd.s32 $0x8F2B, s0  }
0xbc: {  	[sflag:s0] =	ssyncadd.remote.s32 $0x1  }
0xbd: {  	_ =	sfence.sel $0xFFFF  }
0xbe: {  	[dreg:$0x0] =	wrdreg $0xFFFFFFFF;
	(pc) =	sbr.abs _section_cstart, $3  }
0xbf: {  	[dreg:$0x1] =	wrdreg $0xFFFFFFFF  }
0xc0: {  	_ =	task.clear_ibuf [dreg:s6], $0x2FFFF;
	_ =	strace $0x9FFFFFFF  }
0xc1: {  	(tm) =	ssettm $0x7FFFFFFF  }
tec
execute0_lowered:
.L_overlay_start_1:
0x0: {  	(tag) =	ssettag $0x1  }
0x1: {  	s1 =	srdreg.scid  }
0x2: {  	s0 =	stileid.u32;
	s2 =	rddreg [dreg:$0x0];
	s6 =	simm.s32 $0x1  }
0x3: {  	s9 =	simm.s32 $0x1;
	s10 =	simm.s32 $0x3;
	s1 =	sshll.u32 s1, $0xF  }
0x4: {  	s13 =	simm.s32 $0x0;
	s3 =	sshll.u32 s0, $0x10;
	s4 =	sand.u32 $0x8000, s1  }
0x5: {  	s12 =	simm.s32 $0x0;
	s5 =	sadd.s32 $0xC0000, s2;
	s3 =	sor.u32 s3, s4  }
0x6: {  	s1 =	rddreg [dreg:$0x1];
	_ =	strace $0x8000004A;
	s8 =	ssub.s32 $0x200000, s3  }
.Ltmp0:
0x7: {  	s4 =	sadd.s32 $0x80000, s2;
	s7 =	sand.u32 $0xF8000, s8;
	(pc) =	sbr.rel .LBB2_1-.Ltmp0, $4  }
0x8: {  	[sflag:s6] =	ssyncpa.u1 $0x0;
	s11 =	smov.u32 s3;
	p0 =	sne.s32 s7, $0x0  }
0x9: {  	s8 =	sshrl.u32 s8, $0x14;
	s7 =	simm.s32 $0x2;
	s9 =	simm.s32 @!p0 $0x0  }
0xa: {  	[sflag:s7] =	ssyncpa.u1 $0x0;
	p0 =	por $0x0, $0x0;
	s8 =	sadd.s32 s9, s8  }
0xb: {  	vm0 =	vmmov $0xffff;
	[sflag:s10] =	ssyncpa.u1 $0x0;
	s10 =	simm.s32 $0x0;
	s9 =	sadd.s32 $0x1, s8  }
.LBB2_4:
0xc: {  	v5 =	vld.msk [tilespmem:s18+$0x0 ss:$0x1], $0xffff  }
0xd: {  	v6 =	vand.u32 $0x7, v1;
	v7 =	vshrl.u32 v1, $0x3  }
0xe: {  	v3 =	vor.u32 v4, v3;
	vm1 =	veq.s32 v1, $0x80000000;
	v52 =	vand.u32 $0x3FFFF, v7  }
0xf: {  	v2 =	vor.u32 v2, v3;
	v53 =	vsel vm1, $0xFFFFFFFF, v6;
	v1 =	vsel vm1, $0xFFFFFFFF, v52  }
0x10: {  	v6 =	vshll.u32 v53, $0x7;
	v3 =	vand.u32 $0xFFE00000, v53;
	v54 =	vand.u32 $0x7F, v1  }
0x11: {  	v1 =	vshll.u32 v1, $0x3;
	v6 =	vand.u32 $0x380, v6;
	v55 =	vshrl.u32 v5, $0x3  }
0x12: {  	v1 =	vand.u32 $0xFFFFFC00, v1;
	vm1 =	veq.s32 v5, $0x80000000;
	v56 =	vand.u32 $0x3FFFF, v55  }
0x13: {  	v1 =	vadd.s32 v3, v1;
	v5 =	vand.u32 $0x7, v5;
	v3 =	vsel vm1, $0xFFFFFFFF, v56  }
0x14: {  	v1 =	vor.u32 v6, v1;
	v5 =	vsel vm1, $0xFFFFFFFF, v5;
	v57 =	vshll.u32 v3, $0x3  }
0x15: {  	v58 =	vshll.u32 v5, $0x7;
	v5 =	vand.u32 $0xFFE00000, v5;
	v6 =	vand.u32 $0xFFFFFC00, v57  }
0x16: {  	v1 =	vor.u32 v54, v1;
	v60 =	vand.u32 $0x380, v58;
	v59 =	vadd.s32 v5, v6  }
0x17: {  	[tilespmem:s16], [sflag:$0x1] =	stream.indirect_vreg.gather [hbm4b:s2+s10], $0x1, v0, vm0, $0x4038;
	v61 =	vand.u32 $0x7F, v3;
	v62 =	vor.u32 v60, v59;
	v63 =	vld [tilespmem:$0x0]  }
0x18: {  	(ifvalue) =	ssetifvalue $0x7FFFFFFF;
	v0 =	vor.u32 v61, v62  }
0x19: {  	[tilespmem:s15], [sflag:$0x1] =	stream.indirect_vreg.gather [hbm4b:s2+s10], $0x1, v2, vm0, $0x4038;
	v63 =	vld [tilespmem:$0x0]  }
0x1a: {  	s29 =	sadd.s32 $0x10, s15;
	(ifvalue) =	ssetifvalue $0x7FFFFFFF  }
0x1b: {  	[tilespmem:s29], [sflag:$0x1] =	stream.indirect_vreg.gather [hbm4b:s2+s10], $0x1, v1, vm0, $0x4038;
	v63 =	vld [tilespmem:$0x0]  }
0x1c: {  	s15 =	sadd.s32 $0x10, s29;
	(ifvalue) =	ssetifvalue $0x7FFFFFFF  }
0x1d: {  	[tilespmem:s15], [sflag:$0x1] =	stream.indirect_vreg.gather [hbm4b:s2+s10], $0x1, v0, vm0, $0x4038;
	v63 =	vld [tilespmem:$0x0]  }
0x1e: {  	_ =	swait.ge [sflag:s6], $0x8000  }
0x1f: {  	s30 =	sshrl.u32 s13, $0x3;
	[sflag:s6] =	ssyncset.done $0x0  }
0x20: {  	s31 =	sand.u32 $0x7, s13;
	s15 =	sadd.s32 s5, s30;
	[sflag:s6] =	ssyncadd.s32 $0xFFFF8000  }
0x21: {  	[hbm4b:s15+s31] =	stream.linear.scatter [tilespmem:s14], [sflag:$0x3], $0x8000, $0x38;
	v63 =	vld [tilespmem:$0x0]  }
.LBB2_5:
0x22: {  	s15 =	sadd.s32 $0x100000, s11  }
0x23: {  	p2 =	sgt.s32 s15, $0x1FFFFF  }
0x24: {  	s15 =	smov.u32 @p2 s3;
	p2 =	sne.s32 s12, s9  }
.Ltmp1:
0x25: {  	p1 =	slt.u32 s12, $0x2;
	(pc) =	sbr.rel @!p2 .LBB2_6-.Ltmp1, $4  }
0x26: {  	s14 =	simm.s32 @!p1 $0x3  }
0x27: {  	s16 =	sadd.s32 $0x1, s12;
	_ =	swait.ge @!p1 [sflag:s14], $0x8000  }
0x28: {  	s13 =	smov.u32 s11;
	p0 =	por !p0, !p0;
	[sflag:s14] =	ssyncset.done @!p1 $0x0  }
0x29: {  	s12 =	smov.u32 s16;
	s11 =	smov.u32 s15;
	[sflag:s14] =	ssyncadd.s32 @!p1 $0xFFFF8000  }
.LBB2_1:
0x2a: {  	p1 =	sge.u32 s12, s8  }
0x2b: {  	s14 =	sxor.u32 @!p1 $0xFFFFFFFF, s12  }
0x2c: {  	s31 =	sadd.s32 $0xFFFFFFFF, s12;
	s15 =	sshrl.u32 @!p1 s11, $0x3;
	s14 =	sshll.u32 @!p1 s14, $0xF  }
0x2d: {  	s16 =	sand.u32 @!p1 $0x7, s11;
	s15 =	sadd.s32 @!p1 s4, s15;
	s14 =	sand.u32 @!p1 $0x8000, s14  }
0x2e: {  	[tilespmem:s14], [sflag:$0x2] =	stream.linear.gather @!p1 [hbm4b:s15+s16], $0x8000, $0x38;
	v63 =	vld [tilespmem:$0x0]  }
0x2f: {  	p1 =	sge.u32 s31, s8  }
.Ltmp2:
0x30: {  	_ = 	snop;
	(pc) =	sbr.rel @p1 .LBB2_5-.Ltmp2, $1  }
0x31: {  	_ =	sdelay $0x3  }
0x32: {  	s14 =	simm.s32 $0x1  }
0x33: {  	_ =	swait.ge [sflag:s7], $0x8000;
	s14 =	simm.s32 @!p0 $0x0  }
0x34: {  	[sflag:s7] =	ssyncset.done $0x0;
	s14 =	sshll.u32 s14, $0xF  }
0x35: {  	[sflag:s7] =	ssyncadd.s32 $0xFFFF8000;
	(ifvalue) =	ssetifvalue $0x7FFFFFFF;
	v0 =	vld.msk [tilespmem:s14+$0x0 ss:$0x1], $0xffff;
	_ =	sdelay $0x4  }
0x36: {  	s15 =	sadd.s32 $0x10, s14;
	v2 =	vshrl.u32 v0, $0x3  }
0x37: {  	v1 =	vld.msk [tilespmem:s15+$0x0 ss:$0x1], $0xffff;
	vm1 =	veq.s32 v0, $0x80000000;
	v2 =	vand.u32 $0x3FFFF, v2  }
0x38: {  	v0 =	vand.u32 $0x7, v0;
	v2 =	vsel vm1, $0xFFFFFFFF, v2  }
0x39: {  	v0 =	vsel vm1, $0xFFFFFFFF, v0;
	v3 =	vshll.u32 v2, $0x3  }
0x3a: {  	v4 =	vand.u32 $0xFFE00000, v0;
	v0 =	vshll.u32 v0, $0x7;
	v3 =	vand.u32 $0xFFFFFC00, v3  }
0x3b: {  	v0 =	vand.u32 $0x380, v0;
	v3 =	vadd.s32 v4, v3  }
0x3c: {  	v2 =	vand.u32 $0x7F, v2;
	v4 =	vshrl.u32 v1, $0x3;
	v0 =	vor.u32 v0, v3  }
0x3d: {  	vm1 =	veq.s32 v1, $0x80000000;
	v4 =	vand.u32 $0x3FFFF, v4;
	v0 =	vor.u32 v2, v0  }
0x3e: {  	s16 =	sshll.u32 s12, $0xF;
	s15 =	sadd.s32 $0x10, s15;
	v1 =	vand.u32 $0x7, v1;
	v3 =	vsel vm1, $0xFFFFFFFF, v4  }
0x3f: {  	s17 =	sand.u32 $0x8000, s16;
	v2 =	vsel vm1, $0xFFFFFFFF, v1;
	v1 =	vld.msk [tilespmem:s15+$0x0 ss:$0x1], $0xffff;
	v4 =	vshll.u32 v3, $0x3  }
0x40: {  	s16 =	sor.u32 $0x10000, s14;
	s14 =	sor.u32 $0x10000, s17;
	s17 =	simm.s32 $0x30;
	v5 =	vshll.u32 v2, $0x7;
	v6 =	vand.u32 $0xFFE00000, v2;
	v4 =	vand.u32 $0xFFFFFC00, v4  }
0x41: {  	s18 =	sadd.s32 $0x10, s15;
	(ifvalue) =	ssetifvalue $0x7FFFFFFF;
	s15 =	sadd.s32 $0x10, s16;
	v2 =	vand.u32 $0x7F, v3;
	v3 =	vadd.s32 v6, v4;
	v4 =	vand.u32 $0x380, v5  }
.LBB2_3:
0x42: {  	[tilespmem:s16], [sflag:$0x1] =	stream.indirect_vreg.gather [hbm4b:s2+s10], $0x1, v0, vm0, $0x4038;
	v63 =	vld [tilespmem:$0x0]  }
0x43: {  	s17 =	sadd.s32 $0x10, s17  }
0x44: {  	v5 =	vand.u32 $0x7, v1;
	v6 =	vshrl.u32 v1, $0x3;
	v3 =	vor.u32 v4, v3;
	v0 =	vmovc v1;
	v1 =	vld.msk [tilespmem:s18+$0x0 ss:$0x1], $0xffff;
	p1 =	slt.u32 s17, $0x7FF0  }
.Ltmp3:
0x45: {  	s16 =	smov.u32 s15;
	vm1 =	veq.s32 v0, $0x80000000;
	v4 =	vand.u32 $0x3FFFF, v6;
	v0 =	vor.u32 v2, v3;
	(pc) =	sbr.rel @p1 .LBB2_3-.Ltmp3, $4  }
0x46: {  	v3 =	vsel vm1, $0xFFFFFFFF, v5;
	v4 =	vsel vm1, $0xFFFFFFFF, v4  }
0x47: {  	v2 =	vand.u32 $0x7F, v4;
	v4 =	vshll.u32 v4, $0x3;
	v5 =	vshll.u32 v3, $0x7  }
0x48: {  	v3 =	vand.u32 $0xFFE00000, v3;
	v4 =	vand.u32 $0xFFFFFC00, v4  }
0x49: {  	s18 =	sadd.s32 $0x10, s18;
	s15 =	sadd.s32 $0x10, s15;
	v3 =	vadd.s32 v3, v4;
	v4 =	vand.u32 $0x380, v5;
	(ifvalue) =	ssetifvalue $0x7FFFFFFF  }
.Ltmp4:
0x4a: {  	_ = 	snop;
	(pc) =	sbr.rel .LBB2_4-.Ltmp4, $1  }
0x4b: {  	_ =	sdelay $0x3  }
.LBB2_6:
0x4c: {  	_ =	sfence.sel $0x180000  }
0x4d: {  	s2 =	simm.s32 $0x2;
	[bflag:$0x0] =	sbarrier.arrive $0xFFFF  }
0x4e: {  	s30 =	simm.s32 $0x3;
	[sflag:s2] =	ssyncpa.u1 $0x1  }
0x4f: {  	s31 =	simm.s32 $0x1;
	[sflag:s30] =	ssyncpa.u1 $0x1  }
0x50: {  	[sflag:s31] =	ssyncpa.u1 $0x1  }
0x51: {  	p0 =	sne.s32 s0, $0x0;
	_ =	strace $0x9000004A  }
0x52: {  	s0 =	sadd.s32 @!p0 $0x100000, s1;
	[bflag:$0x2] =	sbarrier.arrive $0xFFFF  }
0x53: {  	[sflag:s0] =	ssyncadd.tile.s32 @!p0 $0x1;
	_ =	shalt  }
.Lfunc_end2:
_tile_overlayer_lowered:
.L_overlay_start_2:
0x54: {  	(tag) =	ssettag $0x2  }
0x55: {  	s0 =	rddreg [dreg:$0x0];
	s2 =	stileid.u32  }
0x56: {  	s1 =	rddreg [dreg:$0x1];
	p0 =	sne.s32 s2, $0x0  }
0x57: {  	s3 =	rddreg [dreg:$0x2];
	[bflag:$0x3] =	sbarrier.arrive $0xFFFF;
	s2 =	simm.s32 @!p0 $0x1C01  }
0x58: {  	[timem:s3], [sflag:s2] =	dma.local @!p0 [hbm:s0], s1  }
0x59: {  	s0 =	simm.s32 @!p0 $0x1  }
0x5a: {  	_ =	swait.ge @!p0 [sflag:s0], s1  }
0x5b: {  	s1 =	ssub.s32 @!p0 $0x0, s1;
	[sflag:s0] =	ssyncset.done @!p0 $0x0  }
0x5c: {  	[sflag:s0] =	ssyncadd.s32 @!p0 s1  }
0x5d: {  	[bflag:$0x3] =	sbarrier.arrive $0xFFFF  }
0x5e: {  	_ =	shalt  }

</sc_bundles>
